<compile_context>
chip_gen: v7x
topology: tpu7x:2x2x1
jax: 0.10.2.dev20260603
libtpu: 0.0.44.dev20260713+nightly
codegen_flags: <defaults>
</compile_context>

<pallas_src>
import functools

import jax
import jax.numpy as jnp
from jax import lax
from jax.experimental import pallas as pl
from jax.experimental.pallas import tpu as pltpu
from jax.experimental.pallas import tpu_sc as plsc

_MAP_INDEX = 50000
_B = 4096
_NC = 2
_NS = 16
_NW = _NC * _NS
_PER_W = _B // _NW
_L = 16


def _sc_body(lt_hbm, out_hbm, x2_v, y_v, x_v, oidx0_v, oidx1_v, sem):
    wid = lax.axis_index("s") * _NC + lax.axis_index("c")
    base = wid * _PER_W
    lane = lax.iota(jnp.int32, _L)
    pltpu.sync_copy(lt_hbm.at[pl.ds(_MAP_INDEX, 1), pl.ds(base, _PER_W)], x2_v)
    for k in range(_PER_W // _L):
        sl = pl.ds(k * _L, _L)
        x = x2_v[0, sl]
        x_v[sl] = x
        y_v[sl] = 1.0 - x
        rows = base + (k * _L) + lane
        oidx0_v[sl] = rows * 2
        oidx1_v[sl] = rows * 2 + 1
    c0 = pltpu.async_copy(y_v, out_hbm.at[oidx0_v], sem)
    c1 = pltpu.async_copy(x_v, out_hbm.at[oidx1_v], sem)
    c0.wait()
    c1.wait()


@jax.jit
def kernel(logits):
    lt = logits.T
    run = functools.partial(
        pl.kernel,
        mesh=plsc.VectorSubcoreMesh(core_axis_name="c", subcore_axis_name="s"),
        out_type=jax.ShapeDtypeStruct((_B * 2,), jnp.float32),
        compiler_params=pltpu.CompilerParams(use_tc_tiling_on_sc=True),
        scratch_types=[
            pltpu.VMEM((1, _PER_W), jnp.float32),
            pltpu.VMEM((_PER_W,), jnp.float32),
            pltpu.VMEM((_PER_W,), jnp.float32),
            pltpu.VMEM((_PER_W,), jnp.int32),
            pltpu.VMEM((_PER_W,), jnp.int32),
            pltpu.SemaphoreType.DMA,
        ],
    )(_sc_body)
    return run(lt).reshape(_B, 2)

# --- scband reference (transcript-rebuilt; emitter-appended) ---
"""Pipeline reference for scband-classify-label-t5-85564338471631 (READ-ONLY COPY).

The authoritative reference and input builder live on the scoring server;
editing this copy changes nothing except your own understanding.
"""

import jax, jax.numpy as jnp
import numpy as np

MAP_INDEX = 50000  # map_index['positive']

def setup_inputs(seed: int = 0) -> dict:
    key = jax.random.key(seed)
    logits = jax.random.uniform(key, (4096, 100000), dtype=jnp.float32)
    return {"logits": logits}

def reference(logits):
    # output = logits[:, map_index]
    output = logits[:, MAP_INDEX]
    output = output.reshape(-1, 1)
    # concat(1 - output, output) along last dim -> [B, 2]
    output = jnp.concatenate((jnp.ones_like(output) - output, output), axis=-1)
    return output

if __name__ == "__main__":
    import jax
    _d = setup_inputs()
    print(jax.jit(kernel)(*tuple(_d.values())))

</pallas_src>

<mosaic_0001>
#map = affine_map<(d0, d1) -> (0, 0)>
#map1 = affine_map<(d0, d1) -> (0)>
module attributes {stable_mosaic.version = 14 : i64} {
  func.func @_sc_body(%arg0: i32, %arg1: i32, %arg2: memref<100000x4096xf32, #tpu.memory_space<hbm>>, %arg3: memref<8192xf32, #tpu.memory_space<hbm>>, %arg4: memref<1x128xf32, #tpu.memory_space<vmem>>, %arg5: memref<128xf32, #tpu.memory_space<vmem>>, %arg6: memref<128xf32, #tpu.memory_space<vmem>>, %arg7: memref<128xi32, #tpu.memory_space<vmem>>, %arg8: memref<128xi32, #tpu.memory_space<vmem>>, %arg9: memref<!tpu.dma_semaphore, #tpu.memory_space<semaphore_mem>>) attributes {dimension_semantics = [#tpu.dimension_semantics<core_parallel>, #tpu.dimension_semantics<subcore_parallel>], iteration_bounds = array<i64: 2, 16>, scalar_prefetch = 0 : i64, scratch_operands = 6 : i64, tpu.core_type = #tpu.core_type<sc_vector_subcore>, window_params = [{transform_indices = #map}, {transform_indices = #map1}]} {
    %mul3A = arith.constant 2 : i32
    %mul3A_0 = arith.muli %arg1, %mul3A : i32
    %add3A = arith.addi %mul3A_0, %arg0 : i32
    %mul3A_1 = arith.constant 128 : i32
    %mul3A_2 = arith.muli %add3A, %mul3A_1 : i32
    %iota3A = tpu.iota {dimensions = array<i32: 0>} : vector<16xi32>
    "tpu.region"() ({
      %run_scoped3A = tpu.sem_alloc : memref<!tpu.dma_semaphore, #tpu.memory_space<semaphore_mem>>
      %dma_start3A_302 = arith.constant 50000 : i32
      %dma_start3A_303 = tpu.memref_slice %arg2[%dma_start3A_302, %mul3A_2] : memref<100000x4096xf32, #tpu.memory_space<hbm>> -> memref<1x128xf32, #tpu.memory_space<hbm>>
      %dma_start3A_304 = arith.constant 50000 : i32
      %dma_start3A_305 = tpu.memref_slice %arg2[%dma_start3A_304, %mul3A_2] : memref<100000x4096xf32, #tpu.memory_space<hbm>> -> memref<1x128xf32, #tpu.memory_space<hbm>>
      tpu.enqueue_dma source(%dma_start3A_305 : memref<1x128xf32, #tpu.memory_space<hbm>>) target(%arg4 : memref<1x128xf32, #tpu.memory_space<vmem>>) target_semaphore(%run_scoped3A : memref<!tpu.dma_semaphore, #tpu.memory_space<semaphore_mem>>)
      %dma_wait3A_306 = arith.constant 50000 : i32
      %dma_wait3A_307 = tpu.memref_slice %arg2[%dma_wait3A_306, %mul3A_2] : memref<100000x4096xf32, #tpu.memory_space<hbm>> -> memref<1x128xf32, #tpu.memory_space<hbm>>
      %dma_wait3A_308 = arith.constant 50000 : i32
      %dma_wait3A_309 = tpu.memref_slice %arg2[%dma_wait3A_308, %mul3A_2] : memref<100000x4096xf32, #tpu.memory_space<hbm>> -> memref<1x128xf32, #tpu.memory_space<hbm>>
      tpu.wait_dma2 semaphore(%run_scoped3A : memref<!tpu.dma_semaphore, #tpu.memory_space<semaphore_mem>>) src(%dma_wait3A_309 : memref<1x128xf32, #tpu.memory_space<hbm>>) dst(%arg4 : memref<1x128xf32, #tpu.memory_space<vmem>>)
      tpu.yield
    }) : () -> ()
    %get3A = arith.constant 0 : i32
    %get3A_3 = arith.index_cast %get3A : i32 to index
    %get3A_4 = arith.constant 0 : index
    %get3A_5 = tpu.vector_load %arg4[%get3A_3, %get3A_4] {strides = array<i32>} : memref<1x128xf32, #tpu.memory_space<vmem>>, vector<1x16xf32>,
    %get3A_6 = vector.shape_cast %get3A_5 : vector<1x16xf32> to vector<16xf32>
    %swap3A = arith.constant 0 : index
    %swap3A_7 = tpu.vector_load %arg6[%swap3A] {strides = array<i32>} : memref<128xf32, #tpu.memory_space<vmem>>, vector<16xf32>,
    %swap3A_8 = vector.shape_cast %swap3A_7 : vector<16xf32> to vector<16xf32>
    %swap3A_9 = vector.shape_cast %get3A_6 : vector<16xf32> to vector<16xf32>
    tpu.vector_store %arg6[%swap3A], %swap3A_9 {strides = array<i32>} : memref<128xf32, #tpu.memory_space<vmem>>, vector<16xf32>,
    %sub3A = arith.constant 1.000000e+00 : f32
    %sub3A_10 = vector.broadcast %sub3A : f32 to vector<16xf32>
    %sub3A_11 = arith.subf %sub3A_10, %get3A_6 : vector<16xf32>
    %swap3A_12 = arith.constant 0 : index
    %swap3A_13 = tpu.vector_load %arg5[%swap3A_12] {strides = array<i32>} : memref<128xf32, #tpu.memory_space<vmem>>, vector<16xf32>,
    %swap3A_14 = vector.shape_cast %swap3A_13 : vector<16xf32> to vector<16xf32>
    %swap3A_15 = vector.shape_cast %sub3A_11 : vector<16xf32> to vector<16xf32>
    tpu.vector_store %arg5[%swap3A_12], %swap3A_15 {strides = array<i32>} : memref<128xf32, #tpu.memory_space<vmem>>, vector<16xf32>,
    %add3A_16 = arith.constant 0 : i32
    %add3A_17 = arith.addi %mul3A_2, %add3A_16 : i32
    %add3A_18 = vector.broadcast %add3A_17 : i32 to vector<16xi32>
    %add3A_19 = arith.addi %add3A_18, %iota3A : vector<16xi32>
    %mul3A_20 = arith.constant 2 : i32
    %mul3A_21 = vector.broadcast %mul3A_20 : i32 to vector<16xi32>
    %mul3A_22 = arith.muli %add3A_19, %mul3A_21 : vector<16xi32>
    %swap3A_23 = arith.constant 0 : index
    %swap3A_24 = tpu.vector_load %arg7[%swap3A_23] {strides = array<i32>} : memref<128xi32, #tpu.memory_space<vmem>>, vector<16xi32>,
    %swap3A_25 = vector.shape_cast %swap3A_24 : vector<16xi32> to vector<16xi32>
    %swap3A_26 = vector.shape_cast %mul3A_22 : vector<16xi32> to vector<16xi32>
    tpu.vector_store %arg7[%swap3A_23], %swap3A_26 {strides = array<i32>} : memref<128xi32, #tpu.memory_space<vmem>>, vector<16xi32>,
    %mul3A_27 = arith.constant 2 : i32
    %mul3A_28 = vector.broadcast %mul3A_27 : i32 to vector<16xi32>
    %mul3A_29 = arith.muli %add3A_19, %mul3A_28 : vector<16xi32>
    %add3A_30 = arith.constant 1 : i32
    %add3A_31 = vector.broadcast %add3A_30 : i32 to vector<16xi32>
    %add3A_32 = arith.addi %mul3A_29, %add3A_31 : vector<16xi32>
    %swap3A_33 = arith.constant 0 : index
    %swap3A_34 = tpu.vector_load %arg8[%swap3A_33] {strides = array<i32>} : memref<128xi32, #tpu.memory_space<vmem>>, vector<16xi32>,
    %swap3A_35 = vector.shape_cast %swap3A_34 : vector<16xi32> to vector<16xi32>
    %swap3A_36 = vector.shape_cast %add3A_32 : vector<16xi32> to vector<16xi32>
    tpu.vector_store %arg8[%swap3A_33], %swap3A_36 {strides = array<i32>} : memref<128xi32, #tpu.memory_space<vmem>>, vector<16xi32>,
    %get3A_37 = arith.constant 0 : i32
    %get3A_38 = arith.index_cast %get3A_37 : i32 to index
    %get3A_39 = arith.constant 16 : index
    %get3A_40 = tpu.vector_load %arg4[%get3A_38, %get3A_39] {strides = array<i32>} : memref<1x128xf32, #tpu.memory_space<vmem>>, vector<1x16xf32>,
    %get3A_41 = vector.shape_cast %get3A_40 : vector<1x16xf32> to vector<16xf32>
    %swap3A_42 = arith.constant 16 : index
    %swap3A_43 = tpu.vector_load %arg6[%swap3A_42] {strides = array<i32>} : memref<128xf32, #tpu.memory_space<vmem>>, vector<16xf32>,
    %swap3A_44 = vector.shape_cast %swap3A_43 : vector<16xf32> to vector<16xf32>
    %swap3A_45 = vector.shape_cast %get3A_41 : vector<16xf32> to vector<16xf32>
    tpu.vector_store %arg6[%swap3A_42], %swap3A_45 {strides = array<i32>} : memref<128xf32, #tpu.memory_space<vmem>>, vector<16xf32>,
    %sub3A_46 = arith.constant 1.000000e+00 : f32
    %sub3A_47 = vector.broadcast %sub3A_46 : f32 to vector<16xf32>
    %sub3A_48 = arith.subf %sub3A_47, %get3A_41 : vector<16xf32>
    %swap3A_49 = arith.constant 16 : index
    %swap3A_50 = tpu.vector_load %arg5[%swap3A_49] {strides = array<i32>} : memref<128xf32, #tpu.memory_space<vmem>>, vector<16xf32>,
    %swap3A_51 = vector.shape_cast %swap3A_50 : vector<16xf32> to vector<16xf32>
    %swap3A_52 = vector.shape_cast %sub3A_48 : vector<16xf32> to vector<16xf32>
    tpu.vector_store %arg5[%swap3A_49], %swap3A_52 {strides = array<i32>} : memref<128xf32, #tpu.memory_space<vmem>>, vector<16xf32>,
    %add3A_53 = arith.constant 16 : i32
    %add3A_54 = arith.addi %mul3A_2, %add3A_53 : i32
    %add3A_55 = vector.broadcast %add3A_54 : i32 to vector<16xi32>
    %add3A_56 = arith.addi %add3A_55, %iota3A : vector<16xi32>
    %mul3A_57 = arith.constant 2 : i32
    %mul3A_58 = vector.broadcast %mul3A_57 : i32 to vector<16xi32>
    %mul3A_59 = arith.muli %add3A_56, %mul3A_58 : vector<16xi32>
    %swap3A_60 = arith.constant 16 : index
    %swap3A_61 = tpu.vector_load %arg7[%swap3A_60] {strides = array<i32>} : memref<128xi32, #tpu.memory_space<vmem>>, vector<16xi32>,
    %swap3A_62 = vector.shape_cast %swap3A_61 : vector<16xi32> to vector<16xi32>
    %swap3A_63 = vector.shape_cast %mul3A_59 : vector<16xi32> to vector<16xi32>
    tpu.vector_store %arg7[%swap3A_60], %swap3A_63 {strides = array<i32>} : memref<128xi32, #tpu.memory_space<vmem>>, vector<16xi32>,
    %mul3A_64 = arith.constant 2 : i32
    %mul3A_65 = vector.broadcast %mul3A_64 : i32 to vector<16xi32>
    %mul3A_66 = arith.muli %add3A_56, %mul3A_65 : vector<16xi32>
    %add3A_67 = arith.constant 1 : i32
    %add3A_68 = vector.broadcast %add3A_67 : i32 to vector<16xi32>
    %add3A_69 = arith.addi %mul3A_66, %add3A_68 : vector<16xi32>
    %swap3A_70 = arith.constant 16 : index
    %swap3A_71 = tpu.vector_load %arg8[%swap3A_70] {strides = array<i32>} : memref<128xi32, #tpu.memory_space<vmem>>, vector<16xi32>,
    %swap3A_72 = vector.shape_cast %swap3A_71 : vector<16xi32> to vector<16xi32>
    %swap3A_73 = vector.shape_cast %add3A_69 : vector<16xi32> to vector<16xi32>
    tpu.vector_store %arg8[%swap3A_70], %swap3A_73 {strides = array<i32>} : memref<128xi32, #tpu.memory_space<vmem>>, vector<16xi32>,
    %get3A_74 = arith.constant 0 : i32
    %get3A_75 = arith.index_cast %get3A_74 : i32 to index
    %get3A_76 = arith.constant 32 : index
    %get3A_77 = tpu.vector_load %arg4[%get3A_75, %get3A_76] {strides = array<i32>} : memref<1x128xf32, #tpu.memory_space<vmem>>, vector<1x16xf32>,
    %get3A_78 = vector.shape_cast %get3A_77 : vector<1x16xf32> to vector<16xf32>
    %swap3A_79 = arith.constant 32 : index
    %swap3A_80 = tpu.vector_load %arg6[%swap3A_79] {strides = array<i32>} : memref<128xf32, #tpu.memory_space<vmem>>, vector<16xf32>,
    %swap3A_81 = vector.shape_cast %swap3A_80 : vector<16xf32> to vector<16xf32>
    %swap3A_82 = vector.shape_cast %get3A_78 : vector<16xf32> to vector<16xf32>
    tpu.vector_store %arg6[%swap3A_79], %swap3A_82 {strides = array<i32>} : memref<128xf32, #tpu.memory_space<vmem>>, vector<16xf32>,
    %sub3A_83 = arith.constant 1.000000e+00 : f32
    %sub3A_84 = vector.broadcast %sub3A_83 : f32 to vector<16xf32>
    %sub3A_85 = arith.subf %sub3A_84, %get3A_78 : vector<16xf32>
    %swap3A_86 = arith.constant 32 : index
    %swap3A_87 = tpu.vector_load %arg5[%swap3A_86] {strides = array<i32>} : memref<128xf32, #tpu.memory_space<vmem>>, vector<16xf32>,
    %swap3A_88 = vector.shape_cast %swap3A_87 : vector<16xf32> to vector<16xf32>
    %swap3A_89 = vector.shape_cast %sub3A_85 : vector<16xf32> to vector<16xf32>
    tpu.vector_store %arg5[%swap3A_86], %swap3A_89 {strides = array<i32>} : memref<128xf32, #tpu.memory_space<vmem>>, vector<16xf32>,
    %add3A_90 = arith.constant 32 : i32
    %add3A_91 = arith.addi %mul3A_2, %add3A_90 : i32
    %add3A_92 = vector.broadcast %add3A_91 : i32 to vector<16xi32>
    %add3A_93 = arith.addi %add3A_92, %iota3A : vector<16xi32>
    %mul3A_94 = arith.constant 2 : i32
    %mul3A_95 = vector.broadcast %mul3A_94 : i32 to vector<16xi32>
    %mul3A_96 = arith.muli %add3A_93, %mul3A_95 : vector<16xi32>
    %swap3A_97 = arith.constant 32 : index
    %swap3A_98 = tpu.vector_load %arg7[%swap3A_97] {strides = array<i32>} : memref<128xi32, #tpu.memory_space<vmem>>, vector<16xi32>,
    %swap3A_99 = vector.shape_cast %swap3A_98 : vector<16xi32> to vector<16xi32>
    %swap3A_100 = vector.shape_cast %mul3A_96 : vector<16xi32> to vector<16xi32>
    tpu.vector_store %arg7[%swap3A_97], %swap3A_100 {strides = array<i32>} : memref<128xi32, #tpu.memory_space<vmem>>, vector<16xi32>,
    %mul3A_101 = arith.constant 2 : i32
    %mul3A_102 = vector.broadcast %mul3A_101 : i32 to vector<16xi32>
    %mul3A_103 = arith.muli %add3A_93, %mul3A_102 : vector<16xi32>
    %add3A_104 = arith.constant 1 : i32
    %add3A_105 = vector.broadcast %add3A_104 : i32 to vector<16xi32>
    %add3A_106 = arith.addi %mul3A_103, %add3A_105 : vector<16xi32>
    %swap3A_107 = arith.constant 32 : index
    %swap3A_108 = tpu.vector_load %arg8[%swap3A_107] {strides = array<i32>} : memref<128xi32, #tpu.memory_space<vmem>>, vector<16xi32>,
    %swap3A_109 = vector.shape_cast %swap3A_108 : vector<16xi32> to vector<16xi32>
    %swap3A_110 = vector.shape_cast %add3A_106 : vector<16xi32> to vector<16xi32>
    tpu.vector_store %arg8[%swap3A_107], %swap3A_110 {strides = array<i32>} : memref<128xi32, #tpu.memory_space<vmem>>, vector<16xi32>,
    %get3A_111 = arith.constant 0 : i32
    %get3A_112 = arith.index_cast %get3A_111 : i32 to index
    %get3A_113 = arith.constant 48 : index
    %get3A_114 = tpu.vector_load %arg4[%get3A_112, %get3A_113] {strides = array<i32>} : memref<1x128xf32, #tpu.memory_space<vmem>>, vector<1x16xf32>,
    %get3A_115 = vector.shape_cast %get3A_114 : vector<1x16xf32> to vector<16xf32>
    %swap3A_116 = arith.constant 48 : index
    %swap3A_117 = tpu.vector_load %arg6[%swap3A_116] {strides = array<i32>} : memref<128xf32, #tpu.memory_space<vmem>>, vector<16xf32>,
    %swap3A_118 = vector.shape_cast %swap3A_117 : vector<16xf32> to vector<16xf32>
    %swap3A_119 = vector.shape_cast %get3A_115 : vector<16xf32> to vector<16xf32>
    tpu.vector_store %arg6[%swap3A_116], %swap3A_119 {strides = array<i32>} : memref<128xf32, #tpu.memory_space<vmem>>, vector<16xf32>,
    %sub3A_120 = arith.constant 1.000000e+00 : f32
    %sub3A_121 = vector.broadcast %sub3A_120 : f32 to vector<16xf32>
    %sub3A_122 = arith.subf %sub3A_121, %get3A_115 : vector<16xf32>
    %swap3A_123 = arith.constant 48 : index
    %swap3A_124 = tpu.vector_load %arg5[%swap3A_123] {strides = array<i32>} : memref<128xf32, #tpu.memory_space<vmem>>, vector<16xf32>,
    %swap3A_125 = vector.shape_cast %swap3A_124 : vector<16xf32> to vector<16xf32>
    %swap3A_126 = vector.shape_cast %sub3A_122 : vector<16xf32> to vector<16xf32>
    tpu.vector_store %arg5[%swap3A_123], %swap3A_126 {strides = array<i32>} : memref<128xf32, #tpu.memory_space<vmem>>, vector<16xf32>,
    %add3A_127 = arith.constant 48 : i32
    %add3A_128 = arith.addi %mul3A_2, %add3A_127 : i32
    %add3A_129 = vector.broadcast %add3A_128 : i32 to vector<16xi32>
    %add3A_130 = arith.addi %add3A_129, %iota3A : vector<16xi32>
    %mul3A_131 = arith.constant 2 : i32
    %mul3A_132 = vector.broadcast %mul3A_131 : i32 to vector<16xi32>
    %mul3A_133 = arith.muli %add3A_130, %mul3A_132 : vector<16xi32>
    %swap3A_134 = arith.constant 48 : index
    %swap3A_135 = tpu.vector_load %arg7[%swap3A_134] {strides = array<i32>} : memref<128xi32, #tpu.memory_space<vmem>>, vector<16xi32>,
    %swap3A_136 = vector.shape_cast %swap3A_135 : vector<16xi32> to vector<16xi32>
    %swap3A_137 = vector.shape_cast %mul3A_133 : vector<16xi32> to vector<16xi32>
    tpu.vector_store %arg7[%swap3A_134], %swap3A_137 {strides = array<i32>} : memref<128xi32, #tpu.memory_space<vmem>>, vector<16xi32>,
    %mul3A_138 = arith.constant 2 : i32
    %mul3A_139 = vector.broadcast %mul3A_138 : i32 to vector<16xi32>
    %mul3A_140 = arith.muli %add3A_130, %mul3A_139 : vector<16xi32>
    %add3A_141 = arith.constant 1 : i32
    %add3A_142 = vector.broadcast %add3A_141 : i32 to vector<16xi32>
    %add3A_143 = arith.addi %mul3A_140, %add3A_142 : vector<16xi32>
    %swap3A_144 = arith.constant 48 : index
    %swap3A_145 = tpu.vector_load %arg8[%swap3A_144] {strides = array<i32>} : memref<128xi32, #tpu.memory_space<vmem>>, vector<16xi32>,
    %swap3A_146 = vector.shape_cast %swap3A_145 : vector<16xi32> to vector<16xi32>
    %swap3A_147 = vector.shape_cast %add3A_143 : vector<16xi32> to vector<16xi32>
    tpu.vector_store %arg8[%swap3A_144], %swap3A_147 {strides = array<i32>} : memref<128xi32, #tpu.memory_space<vmem>>, vector<16xi32>,
    %get3A_148 = arith.constant 0 : i32
    %get3A_149 = arith.index_cast %get3A_148 : i32 to index
    %get3A_150 = arith.constant 64 : index
    %get3A_151 = tpu.vector_load %arg4[%get3A_149, %get3A_150] {strides = array<i32>} : memref<1x128xf32, #tpu.memory_space<vmem>>, vector<1x16xf32>,
    %get3A_152 = vector.shape_cast %get3A_151 : vector<1x16xf32> to vector<16xf32>
    %swap3A_153 = arith.constant 64 : index
    %swap3A_154 = tpu.vector_load %arg6[%swap3A_153] {strides = array<i32>} : memref<128xf32, #tpu.memory_space<vmem>>, vector<16xf32>,
    %swap3A_155 = vector.shape_cast %swap3A_154 : vector<16xf32> to vector<16xf32>
    %swap3A_156 = vector.shape_cast %get3A_152 : vector<16xf32> to vector<16xf32>
    tpu.vector_store %arg6[%swap3A_153], %swap3A_156 {strides = array<i32>} : memref<128xf32, #tpu.memory_space<vmem>>, vector<16xf32>,
    %sub3A_157 = arith.constant 1.000000e+00 : f32
    %sub3A_158 = vector.broadcast %sub3A_157 : f32 to vector<16xf32>
    %sub3A_159 = arith.subf %sub3A_158, %get3A_152 : vector<16xf32>
    %swap3A_160 = arith.constant 64 : index
    %swap3A_161 = tpu.vector_load %arg5[%swap3A_160] {strides = array<i32>} : memref<128xf32, #tpu.memory_space<vmem>>, vector<16xf32>,
    %swap3A_162 = vector.shape_cast %swap3A_161 : vector<16xf32> to vector<16xf32>
    %swap3A_163 = vector.shape_cast %sub3A_159 : vector<16xf32> to vector<16xf32>
    tpu.vector_store %arg5[%swap3A_160], %swap3A_163 {strides = array<i32>} : memref<128xf32, #tpu.memory_space<vmem>>, vector<16xf32>,
    %add3A_164 = arith.constant 64 : i32
    %add3A_165 = arith.addi %mul3A_2, %add3A_164 : i32
    %add3A_166 = vector.broadcast %add3A_165 : i32 to vector<16xi32>
    %add3A_167 = arith.addi %add3A_166, %iota3A : vector<16xi32>
    %mul3A_168 = arith.constant 2 : i32
    %mul3A_169 = vector.broadcast %mul3A_168 : i32 to vector<16xi32>
    %mul3A_170 = arith.muli %add3A_167, %mul3A_169 : vector<16xi32>
    %swap3A_171 = arith.constant 64 : index
    %swap3A_172 = tpu.vector_load %arg7[%swap3A_171] {strides = array<i32>} : memref<128xi32, #tpu.memory_space<vmem>>, vector<16xi32>,
    %swap3A_173 = vector.shape_cast %swap3A_172 : vector<16xi32> to vector<16xi32>
    %swap3A_174 = vector.shape_cast %mul3A_170 : vector<16xi32> to vector<16xi32>
    tpu.vector_store %arg7[%swap3A_171], %swap3A_174 {strides = array<i32>} : memref<128xi32, #tpu.memory_space<vmem>>, vector<16xi32>,
    %mul3A_175 = arith.constant 2 : i32
    %mul3A_176 = vector.broadcast %mul3A_175 : i32 to vector<16xi32>
    %mul3A_177 = arith.muli %add3A_167, %mul3A_176 : vector<16xi32>
    %add3A_178 = arith.constant 1 : i32
    %add3A_179 = vector.broadcast %add3A_178 : i32 to vector<16xi32>
    %add3A_180 = arith.addi %mul3A_177, %add3A_179 : vector<16xi32>
    %swap3A_181 = arith.constant 64 : index
    %swap3A_182 = tpu.vector_load %arg8[%swap3A_181] {strides = array<i32>} : memref<128xi32, #tpu.memory_space<vmem>>, vector<16xi32>,
    %swap3A_183 = vector.shape_cast %swap3A_182 : vector<16xi32> to vector<16xi32>
    %swap3A_184 = vector.shape_cast %add3A_180 : vector<16xi32> to vector<16xi32>
    tpu.vector_store %arg8[%swap3A_181], %swap3A_184 {strides = array<i32>} : memref<128xi32, #tpu.memory_space<vmem>>, vector<16xi32>,
    %get3A_185 = arith.constant 0 : i32
    %get3A_186 = arith.index_cast %get3A_185 : i32 to index
    %get3A_187 = arith.constant 80 : index
    %get3A_188 = tpu.vector_load %arg4[%get3A_186, %get3A_187] {strides = array<i32>} : memref<1x128xf32, #tpu.memory_space<vmem>>, vector<1x16xf32>,
    %get3A_189 = vector.shape_cast %get3A_188 : vector<1x16xf32> to vector<16xf32>
    %swap3A_190 = arith.constant 80 : index
    %swap3A_191 = tpu.vector_load %arg6[%swap3A_190] {strides = array<i32>} : memref<128xf32, #tpu.memory_space<vmem>>, vector<16xf32>,
    %swap3A_192 = vector.shape_cast %swap3A_191 : vector<16xf32> to vector<16xf32>
    %swap3A_193 = vector.shape_cast %get3A_189 : vector<16xf32> to vector<16xf32>
    tpu.vector_store %arg6[%swap3A_190], %swap3A_193 {strides = array<i32>} : memref<128xf32, #tpu.memory_space<vmem>>, vector<16xf32>,
    %sub3A_194 = arith.constant 1.000000e+00 : f32
    %sub3A_195 = vector.broadcast %sub3A_194 : f32 to vector<16xf32>
    %sub3A_196 = arith.subf %sub3A_195, %get3A_189 : vector<16xf32>
    %swap3A_197 = arith.constant 80 : index
    %swap3A_198 = tpu.vector_load %arg5[%swap3A_197] {strides = array<i32>} : memref<128xf32, #tpu.memory_space<vmem>>, vector<16xf32>,
    %swap3A_199 = vector.shape_cast %swap3A_198 : vector<16xf32> to vector<16xf32>
    %swap3A_200 = vector.shape_cast %sub3A_196 : vector<16xf32> to vector<16xf32>
    tpu.vector_store %arg5[%swap3A_197], %swap3A_200 {strides = array<i32>} : memref<128xf32, #tpu.memory_space<vmem>>, vector<16xf32>,
    %add3A_201 = arith.constant 80 : i32
    %add3A_202 = arith.addi %mul3A_2, %add3A_201 : i32
    %add3A_203 = vector.broadcast %add3A_202 : i32 to vector<16xi32>
    %add3A_204 = arith.addi %add3A_203, %iota3A : vector<16xi32>
    %mul3A_205 = arith.constant 2 : i32
    %mul3A_206 = vector.broadcast %mul3A_205 : i32 to vector<16xi32>
    %mul3A_207 = arith.muli %add3A_204, %mul3A_206 : vector<16xi32>
    %swap3A_208 = arith.constant 80 : index
    %swap3A_209 = tpu.vector_load %arg7[%swap3A_208] {strides = array<i32>} : memref<128xi32, #tpu.memory_space<vmem>>, vector<16xi32>,
    %swap3A_210 = vector.shape_cast %swap3A_209 : vector<16xi32> to vector<16xi32>
    %swap3A_211 = vector.shape_cast %mul3A_207 : vector<16xi32> to vector<16xi32>
    tpu.vector_store %arg7[%swap3A_208], %swap3A_211 {strides = array<i32>} : memref<128xi32, #tpu.memory_space<vmem>>, vector<16xi32>,
    %mul3A_212 = arith.constant 2 : i32
    %mul3A_213 = vector.broadcast %mul3A_212 : i32 to vector<16xi32>
    %mul3A_214 = arith.muli %add3A_204, %mul3A_213 : vector<16xi32>
    %add3A_215 = arith.constant 1 : i32
    %add3A_216 = vector.broadcast %add3A_215 : i32 to vector<16xi32>
    %add3A_217 = arith.addi %mul3A_214, %add3A_216 : vector<16xi32>
    %swap3A_218 = arith.constant 80 : index
    %swap3A_219 = tpu.vector_load %arg8[%swap3A_218] {strides = array<i32>} : memref<128xi32, #tpu.memory_space<vmem>>, vector<16xi32>,
    %swap3A_220 = vector.shape_cast %swap3A_219 : vector<16xi32> to vector<16xi32>
    %swap3A_221 = vector.shape_cast %add3A_217 : vector<16xi32> to vector<16xi32>
    tpu.vector_store %arg8[%swap3A_218], %swap3A_221 {strides = array<i32>} : memref<128xi32, #tpu.memory_space<vmem>>, vector<16xi32>,
    %get3A_222 = arith.constant 0 : i32
    %get3A_223 = arith.index_cast %get3A_222 : i32 to index
    %get3A_224 = arith.constant 96 : index
    %get3A_225 = tpu.vector_load %arg4[%get3A_223, %get3A_224] {strides = array<i32>} : memref<1x128xf32, #tpu.memory_space<vmem>>, vector<1x16xf32>,
    %get3A_226 = vector.shape_cast %get3A_225 : vector<1x16xf32> to vector<16xf32>
    %swap3A_227 = arith.constant 96 : index
    %swap3A_228 = tpu.vector_load %arg6[%swap3A_227] {strides = array<i32>} : memref<128xf32, #tpu.memory_space<vmem>>, vector<16xf32>,
    %swap3A_229 = vector.shape_cast %swap3A_228 : vector<16xf32> to vector<16xf32>
    %swap3A_230 = vector.shape_cast %get3A_226 : vector<16xf32> to vector<16xf32>
    tpu.vector_store %arg6[%swap3A_227], %swap3A_230 {strides = array<i32>} : memref<128xf32, #tpu.memory_space<vmem>>, vector<16xf32>,
    %sub3A_231 = arith.constant 1.000000e+00 : f32
    %sub3A_232 = vector.broadcast %sub3A_231 : f32 to vector<16xf32>
    %sub3A_233 = arith.subf %sub3A_232, %get3A_226 : vector<16xf32>
    %swap3A_234 = arith.constant 96 : index
    %swap3A_235 = tpu.vector_load %arg5[%swap3A_234] {strides = array<i32>} : memref<128xf32, #tpu.memory_space<vmem>>, vector<16xf32>,
    %swap3A_236 = vector.shape_cast %swap3A_235 : vector<16xf32> to vector<16xf32>
    %swap3A_237 = vector.shape_cast %sub3A_233 : vector<16xf32> to vector<16xf32>
    tpu.vector_store %arg5[%swap3A_234], %swap3A_237 {strides = array<i32>} : memref<128xf32, #tpu.memory_space<vmem>>, vector<16xf32>,
    %add3A_238 = arith.constant 96 : i32
    %add3A_239 = arith.addi %mul3A_2, %add3A_238 : i32
    %add3A_240 = vector.broadcast %add3A_239 : i32 to vector<16xi32>
    %add3A_241 = arith.addi %add3A_240, %iota3A : vector<16xi32>
    %mul3A_242 = arith.constant 2 : i32
    %mul3A_243 = vector.broadcast %mul3A_242 : i32 to vector<16xi32>
    %mul3A_244 = arith.muli %add3A_241, %mul3A_243 : vector<16xi32>
    %swap3A_245 = arith.constant 96 : index
    %swap3A_246 = tpu.vector_load %arg7[%swap3A_245] {strides = array<i32>} : memref<128xi32, #tpu.memory_space<vmem>>, vector<16xi32>,
    %swap3A_247 = vector.shape_cast %swap3A_246 : vector<16xi32> to vector<16xi32>
    %swap3A_248 = vector.shape_cast %mul3A_244 : vector<16xi32> to vector<16xi32>
    tpu.vector_store %arg7[%swap3A_245], %swap3A_248 {strides = array<i32>} : memref<128xi32, #tpu.memory_space<vmem>>, vector<16xi32>,
    %mul3A_249 = arith.constant 2 : i32
    %mul3A_250 = vector.broadcast %mul3A_249 : i32 to vector<16xi32>
    %mul3A_251 = arith.muli %add3A_241, %mul3A_250 : vector<16xi32>
    %add3A_252 = arith.constant 1 : i32
    %add3A_253 = vector.broadcast %add3A_252 : i32 to vector<16xi32>
    %add3A_254 = arith.addi %mul3A_251, %add3A_253 : vector<16xi32>
    %swap3A_255 = arith.constant 96 : index
    %swap3A_256 = tpu.vector_load %arg8[%swap3A_255] {strides = array<i32>} : memref<128xi32, #tpu.memory_space<vmem>>, vector<16xi32>,
    %swap3A_257 = vector.shape_cast %swap3A_256 : vector<16xi32> to vector<16xi32>
    %swap3A_258 = vector.shape_cast %add3A_254 : vector<16xi32> to vector<16xi32>
    tpu.vector_store %arg8[%swap3A_255], %swap3A_258 {strides = array<i32>} : memref<128xi32, #tpu.memory_space<vmem>>, vector<16xi32>,
    %get3A_259 = arith.constant 0 : i32
    %get3A_260 = arith.index_cast %get3A_259 : i32 to index
    %get3A_261 = arith.constant 112 : index
    %get3A_262 = tpu.vector_load %arg4[%get3A_260, %get3A_261] {strides = array<i32>} : memref<1x128xf32, #tpu.memory_space<vmem>>, vector<1x16xf32>,
    %get3A_263 = vector.shape_cast %get3A_262 : vector<1x16xf32> to vector<16xf32>
    %swap3A_264 = arith.constant 112 : index
    %swap3A_265 = tpu.vector_load %arg6[%swap3A_264] {strides = array<i32>} : memref<128xf32, #tpu.memory_space<vmem>>, vector<16xf32>,
    %swap3A_266 = vector.shape_cast %swap3A_265 : vector<16xf32> to vector<16xf32>
    %swap3A_267 = vector.shape_cast %get3A_263 : vector<16xf32> to vector<16xf32>
    tpu.vector_store %arg6[%swap3A_264], %swap3A_267 {strides = array<i32>} : memref<128xf32, #tpu.memory_space<vmem>>, vector<16xf32>,
    %sub3A_268 = arith.constant 1.000000e+00 : f32
    %sub3A_269 = vector.broadcast %sub3A_268 : f32 to vector<16xf32>
    %sub3A_270 = arith.subf %sub3A_269, %get3A_263 : vector<16xf32>
    %swap3A_271 = arith.constant 112 : index
    %swap3A_272 = tpu.vector_load %arg5[%swap3A_271] {strides = array<i32>} : memref<128xf32, #tpu.memory_space<vmem>>, vector<16xf32>,
    %swap3A_273 = vector.shape_cast %swap3A_272 : vector<16xf32> to vector<16xf32>
    %swap3A_274 = vector.shape_cast %sub3A_270 : vector<16xf32> to vector<16xf32>
    tpu.vector_store %arg5[%swap3A_271], %swap3A_274 {strides = array<i32>} : memref<128xf32, #tpu.memory_space<vmem>>, vector<16xf32>,
    %add3A_275 = arith.constant 112 : i32
    %add3A_276 = arith.addi %mul3A_2, %add3A_275 : i32
    %add3A_277 = vector.broadcast %add3A_276 : i32 to vector<16xi32>
    %add3A_278 = arith.addi %add3A_277, %iota3A : vector<16xi32>
    %mul3A_279 = arith.constant 2 : i32
    %mul3A_280 = vector.broadcast %mul3A_279 : i32 to vector<16xi32>
    %mul3A_281 = arith.muli %add3A_278, %mul3A_280 : vector<16xi32>
    %swap3A_282 = arith.constant 112 : index
    %swap3A_283 = tpu.vector_load %arg7[%swap3A_282] {strides = array<i32>} : memref<128xi32, #tpu.memory_space<vmem>>, vector<16xi32>,
    %swap3A_284 = vector.shape_cast %swap3A_283 : vector<16xi32> to vector<16xi32>
    %swap3A_285 = vector.shape_cast %mul3A_281 : vector<16xi32> to vector<16xi32>
    tpu.vector_store %arg7[%swap3A_282], %swap3A_285 {strides = array<i32>} : memref<128xi32, #tpu.memory_space<vmem>>, vector<16xi32>,
    %mul3A_286 = arith.constant 2 : i32
    %mul3A_287 = vector.broadcast %mul3A_286 : i32 to vector<16xi32>
    %mul3A_288 = arith.muli %add3A_278, %mul3A_287 : vector<16xi32>
    %add3A_289 = arith.constant 1 : i32
    %add3A_290 = vector.broadcast %add3A_289 : i32 to vector<16xi32>
    %add3A_291 = arith.addi %mul3A_288, %add3A_290 : vector<16xi32>
    %swap3A_292 = arith.constant 112 : index
    %swap3A_293 = tpu.vector_load %arg8[%swap3A_292] {strides = array<i32>} : memref<128xi32, #tpu.memory_space<vmem>>, vector<16xi32>,
    %swap3A_294 = vector.shape_cast %swap3A_293 : vector<16xi32> to vector<16xi32>
    %swap3A_295 = vector.shape_cast %add3A_291 : vector<16xi32> to vector<16xi32>
    tpu.vector_store %arg8[%swap3A_292], %swap3A_295 {strides = array<i32>} : memref<128xi32, #tpu.memory_space<vmem>>, vector<16xi32>,
    %dma_start3A = arith.constant 0 : i32
    %dma_start3A_296 = tpu.memref_slice %arg3[%dma_start3A] : memref<8192xf32, #tpu.memory_space<hbm>> -> memref<8192xf32, #tpu.memory_space<hbm>>
    tpu.enqueue_indirect_dma source(%arg5 : memref<128xf32, #tpu.memory_space<vmem>>) target(%dma_start3A_296 : memref<8192xf32, #tpu.memory_space<hbm>>) offsets(%arg7 : memref<128xi32, #tpu.memory_space<vmem>>) semaphore(%arg9 : memref<!tpu.dma_semaphore, #tpu.memory_space<semaphore_mem>>)
    %dma_start3A_297 = arith.constant 0 : i32
    %dma_start3A_298 = tpu.memref_slice %arg3[%dma_start3A_297] : memref<8192xf32, #tpu.memory_space<hbm>> -> memref<8192xf32, #tpu.memory_space<hbm>>
    tpu.enqueue_indirect_dma source(%arg6 : memref<128xf32, #tpu.memory_space<vmem>>) target(%dma_start3A_298 : memref<8192xf32, #tpu.memory_space<hbm>>) offsets(%arg8 : memref<128xi32, #tpu.memory_space<vmem>>) semaphore(%arg9 : memref<!tpu.dma_semaphore, #tpu.memory_space<semaphore_mem>>)
    %dma_wait3A = arith.constant 0 : i32
    %dma_wait3A_299 = tpu.memref_slice %arg3[%dma_wait3A] : memref<8192xf32, #tpu.memory_space<hbm>> -> memref<8192xf32, #tpu.memory_space<hbm>>
    tpu.wait_indirect_dma semaphore(%arg9 : memref<!tpu.dma_semaphore, #tpu.memory_space<semaphore_mem>>) src(%arg5 : memref<128xf32, #tpu.memory_space<vmem>>) dst(%dma_wait3A_299 : memref<8192xf32, #tpu.memory_space<hbm>>)
    %dma_wait3A_300 = arith.constant 0 : i32
    %dma_wait3A_301 = tpu.memref_slice %arg3[%dma_wait3A_300] : memref<8192xf32, #tpu.memory_space<hbm>> -> memref<8192xf32, #tpu.memory_space<hbm>>
    tpu.wait_indirect_dma semaphore(%arg9 : memref<!tpu.dma_semaphore, #tpu.memory_space<semaphore_mem>>) src(%arg6 : memref<128xf32, #tpu.memory_space<vmem>>) dst(%dma_wait3A_301 : memref<8192xf32, #tpu.memory_space<hbm>>)
    return
  }
}

</mosaic_0001>

<sc_bundles>
// kernel: kernel.3.cloned.1.call-start
scs
__scs_entry_jumppad:
0x0: {  	(pc) =	sbr.rel $0x88, $3  }
0x1: {  	(tag) =	ssettag $0x0;
	lr =	simm.s32 $0x1  }
0x2: {  	[smem:$0x3FA0] =	sst lr;
	_ =	strace $0xD0000000  }
0x3: {  	_ = 	snop  }
0x4: {  	_ = 	snop  }
0x5: {  	_ = 	snop  }
0x6: {  	_ = 	snop  }
0x7: {  	_ = 	snop  }
__scs_overlays_trampoline_lowered:
0x8: {  	[smem:$0x3FAF] =	sst s0  }
0x9: {  	[smem:$0x3FB0] =	sst s1  }
0xa: {  	[smem:$0x3FB1] =	sst s2  }
0xb: {  	[smem:$0x3FB2] =	sst s3  }
0xc: {  	[smem:$0x3FB3] =	sst s4  }
0xd: {  	[smem:$0x3FB4] =	sst s5  }
0xe: {  	[smem:$0x3FB5] =	sst s6  }
0xf: {  	[smem:$0x3FB6] =	sst s7  }
0x10: {  	[smem:$0x3FB7] =	sst s8  }
0x11: {  	[smem:$0x3FB8] =	sst s9;
	s0 =	simm.s32 @!p0 $0x0  }
0x12: {  	s1 =	sld [smem:$0x3F9E];
	s0 =	simm.s32 @p0 $0x1  }
0x13: {  	[smem:$0x3FB9] =	sst s0;
	s0 =	simm.s32 @!p1 $0x0  }
0x14: {  	s2 =	sld [smem:$0x3F9D];
	s0 =	simm.s32 @p1 $0x1  }
0x15: {  	[smem:$0x3FBA] =	sst s0;
	s0 =	simm.s32 @!p2 $0x0  }
0x16: {  	s3 =	sld [smem:$0x3FDB];
	s0 =	simm.s32 @p2 $0x1  }
0x17: {  	s4 =	simm.s32 $0x1BF5;
	[smem:$0x3FBC] =	sst s0  }
0x18: {  	s0 =	sld [smem:$0x3F9F];
	_ =	swait.ge [sflag:s4], $0x0  }
0x19: {  	s7 =	sld [smem:$0x3FA0]  }
0x1a: {  	s8 =	sadd.s32 $0xFFFFE003, lr  }
0x1b: {  	s9 =	sadd.s32 $0xFFFFFEF7, lr;
	s5 =	simm.s32 $0xFFFFFFFF;
	p2 =	slt.u32 s8, $0xFFFFF086  }
0x1c: {  	p1 =	slt.u32 s9, $0xF7A;
	s5 =	simm.s32 @!p2 $0x0  }
0x1d: {  	s5 =	simm.s32 @p1 $0x1;
	p0 =	seq.s32 s7, s2  }
0x1e: {  	s7 =	smul.u32 @!p0 $0xF7A, s2;
	p2 =	seq.s32 @!p0 s5, $0x0  }
0x1f: {  	s9 =	smul.u32 $0xF7A, s1;
	s8 =	simm.s32 @!p0 $0x1BF5;
	p2 =	por !p2, p0  }
0x20: {  	[sflag:s8] =	ssyncset.s32 @!p0 $0xFFFFF086;
	s6 =	sadd.s32 @!p0 s3, s7;
	s7 =	simm.s32 @!p0 $0x108  }
0x21: {  	s3 =	sadd.s32 s3, s9;
	s6 =	sadd.s32 @!p0 $0x88, s6;
	s7 =	simm.s32 @p2 $0x1082  }
0x22: {  	[simem:s7], [sflag:s8] =	dma.local @!p0 [hbm:s6], $0xF7A  }
0x23: {  	s9 =	sor.u32 $0xD0000000, s2;
	s6 =	simm.s32 $0x108;
	_ =	swait.ge @!p0 [sflag:s8], $0x0  }
0x24: {  	s3 =	sadd.s32 $0x88, s3;
	s6 =	simm.s32 @!p1 $0x1082;
	[sflag:s4] =	ssyncset.s32 $0xFFFFF086  }
0x25: {  	[simem:s6], [sflag:s4] =	dma.local [hbm:s3], $0xF7A  }
0x26: {  	[smem:$0x3FA0] =	sst s1;
	(tag) =	ssettag s2;
	_ =	strace s9  }
0x27: {  	s1 =	sld [smem:$0x3FB0]  }
0x28: {  	s2 =	sld [smem:$0x3FB1]  }
0x29: {  	s4 =	sld [smem:$0x3FB3]  }
0x2a: {  	p0 =	seq.s32 s5, $0x0;
	s5 =	sld [smem:$0x3FB4]  }
0x2b: {  	s6 =	sld [smem:$0x3FB5]  }
0x2c: {  	s7 =	sld [smem:$0x3FB6]  }
0x2d: {  	s3 =	simm.s32 $0x108;
	s8 =	sld [smem:$0x3FB7]  }
0x2e: {  	s3 =	simm.s32 @!p0 $0x1082;
	s9 =	sld [smem:$0x3FB8]  }
0x2f: {  	lr =	sadd.s32 s0, s3;
	s0 =	sld [smem:$0x3FAF]  }
0x30: {  	s3 =	sld [smem:$0x3FB2]  }
0x31: {  	[smem:$0x3FBB] =	sst s10  }
0x32: {  	s10 =	sld [smem:$0x3FB9];
	_ =	sdelay $0x3  }
0x33: {  	p0 =	seq.s32 s10, $0x1;
	s10 =	sld [smem:$0x3FBB];
	_ =	sdelay $0x3  }
0x34: {  	[smem:$0x3FBB] =	sst s10  }
0x35: {  	s10 =	sld [smem:$0x3FBA];
	_ =	sdelay $0x3  }
0x36: {  	p1 =	seq.s32 s10, $0x1;
	s10 =	sld [smem:$0x3FBB];
	_ =	sdelay $0x3  }
0x37: {  	[smem:$0x3FBB] =	sst s10  }
0x38: {  	s10 =	sld [smem:$0x3FBC]  }
0x39: {  	_ = 	snop;
	(pc) =	sbr.ind lr, $3  }
0x3a: {  	_ = 	snop  }
0x3b: {  	_ = 	snop  }
0x3c: {  	p2 =	seq.s32 s10, $0x1;
	s10 =	sld [smem:$0x3FBB]  }
0x3d: {  	_ =	shalt  }
0x3e: {  	_ =	shalt  }
0x3f: {  	_ =	shalt  }
0x40: {  	_ =	shalt  }
0x41: {  	_ =	shalt  }
0x42: {  	_ =	shalt  }
0x43: {  	_ =	shalt  }
0x44: {  	_ =	shalt  }
0x45: {  	_ =	shalt  }
0x46: {  	_ =	shalt  }
0x47: {  	_ =	shalt  }
0x48: {  	_ =	shalt  }
0x49: {  	_ =	shalt  }
0x4a: {  	_ =	shalt  }
0x4b: {  	_ =	shalt  }
0x4c: {  	_ =	shalt  }
0x4d: {  	_ =	shalt  }
0x4e: {  	_ =	shalt  }
0x4f: {  	_ =	shalt  }
0x50: {  	_ =	shalt  }
0x51: {  	_ =	shalt  }
0x52: {  	_ =	shalt  }
0x53: {  	_ =	shalt  }
0x54: {  	_ =	shalt  }
0x55: {  	_ =	shalt  }
0x56: {  	_ =	shalt  }
0x57: {  	_ =	shalt  }
0x58: {  	_ =	shalt  }
0x59: {  	_ =	shalt  }
0x5a: {  	_ =	shalt  }
0x5b: {  	_ =	shalt  }
0x5c: {  	_ =	shalt  }
0x5d: {  	_ =	shalt  }
0x5e: {  	_ =	shalt  }
0x5f: {  	_ =	shalt  }
0x60: {  	_ =	shalt  }
0x61: {  	_ =	shalt  }
0x62: {  	_ =	shalt  }
0x63: {  	_ =	shalt  }
0x64: {  	_ =	shalt  }
0x65: {  	_ =	shalt  }
0x66: {  	_ =	shalt  }
0x67: {  	_ =	shalt  }
0x68: {  	_ =	shalt  }
0x69: {  	_ =	shalt  }
0x6a: {  	_ =	shalt  }
0x6b: {  	_ =	shalt  }
0x6c: {  	_ =	shalt  }
0x6d: {  	_ =	shalt  }
0x6e: {  	_ =	shalt  }
0x6f: {  	_ =	shalt  }
0x70: {  	_ =	shalt  }
0x71: {  	_ =	shalt  }
0x72: {  	_ =	shalt  }
0x73: {  	_ =	shalt  }
0x74: {  	_ =	shalt  }
0x75: {  	_ =	shalt  }
0x76: {  	_ =	shalt  }
0x77: {  	_ =	shalt  }
0x78: {  	_ =	shalt  }
0x79: {  	_ =	shalt  }
0x7a: {  	_ =	shalt  }
0x7b: {  	_ =	shalt  }
0x7c: {  	_ =	shalt  }
0x7d: {  	_ =	shalt  }
0x7e: {  	_ =	shalt  }
0x7f: {  	_ =	shalt  }
0x80: {  	_ =	shalt  }
0x81: {  	_ =	shalt  }
0x82: {  	_ =	shalt  }
0x83: {  	_ =	shalt  }
0x84: {  	_ =	shalt  }
0x85: {  	_ =	shalt  }
0x86: {  	_ =	shalt  }
0x87: {  	_ =	shalt  }
.Lfunc_end0:
.L_simem_size_0:
called_computation_lowered:
.L_overlay_start_0:
0x88: {  	s2 =	sld [smem:$0x3FD9]  }
0x89: {  	s3 =	sld [smem:$0x3FFE];
	_ =	sdelay $0x1  }
0x8a: {  	s1 =	srdreg.scid  }
0x8b: {  	s0 =	sand.u32 $0x1, s1  }
0x8c: {  	s18 =	sshll.u32 s0, $0xA;
	s2 =	sadd.s32 s3, s2  }
0x8d: {  	s2 =	sadd.s32 s2, s18  }
0x8e: {  	[smem:$0x3FC7] =	sst s2  }
0x8f: {  	_ = 	snop  }
0x90: {  	s2 =	sld [smem:$0x3FC9]  }
0x91: {  	s19 =	sld [smem:$0x3FD0];
	(tm) =	ssettm $0x1  }
0x92: {  	s4 =	sld [smem:$0x3FFB];
	_ =	sdelay $0x3  }
0x93: {  	_ =	strace s4  }
0x94: {  	s4 =	sld [smem:$0x3FFC];
	_ =	sdelay $0x3  }
0x95: {  	_ =	strace s4  }
0x96: {  	s4 =	sld [smem:$0x3FFD];
	_ =	sdelay $0x3  }
0x97: {  	_ =	strace s4  }
0x98: {  	_ =	strace $0x8FFFFFFF  }
0x99: {  	s20 =	sld [smem:$0x3FDB];
	_ =	sdelay $0x1  }
0x9a: {  	s5 =	simm.s32 $_scs_section_size  }
0x9b: {  	s6 =	simm.s32 $_size__tile_overlayer_lowered;
	s7 =	simm.s32 $_tile_overlayer_lowered  }
0x9c: {  	s23 =	simm.s32 $0x1BFF;
	s22 =	sshll.u32 s7, $0x1;
	s4 =	sadd.s32 s5, s20  }
0x9d: {  	s8 =	simm.s32 $0x0;
	s21 =	sshll.u32 s6, $0x1;
	s6 =	sadd.s32 s22, s4  }
0x9e: {  	[timem:s8], [sflag:s23] =	dma.local [hbm:s6], s21  }
0x9f: {  	_ =	swait.ge [sflag:s23], s21  }
0xa0: {  	s5 =	ssub.s32 $0x0, s21;
	[sflag:s23] =	ssyncset.done $0x0  }
0xa1: {  	[sflag:s23] =	ssyncadd.s32 s5;
	_ =	sdelay $0x1  }
0xa2: {  	s24 =	simm.s32 $0x1B8B  }
0xa3: {  	_ =	swait.ge [sflag:s24], $0x1  }
0xa4: {  	[sflag:s24] =	ssyncset.done $0x0  }
0xa5: {  	s25 =	simm.s32 $0x1B8E;
	[sflag:s24] =	ssyncadd.s32 $0xFFFFFFFF  }
0xa6: {  	s26 =	simm.s32 $execute0_lowered;
	[smem:$0x3FD2] =	sst s25  }
0xa7: {  	s5 =	sshll.u32 s26, $0x1;
	_ =	strace $0x80000046;
	[dreg:$0x1] =	wrdreg $0xFFFFFFFF  }
0xa8: {  	s28 =	simm.s32 $_size_execute0_lowered;
	s4 =	sadd.s32 s4, s5;
	[dreg:$0x0] =	wrdreg $0x0  }
0xa9: {  	s5 =	sshll.u32 s28, $0x1;
	[dreg:$0x2] =	wrdreg s4  }
0xaa: {  	[dreg:$0x3] =	wrdreg s5  }
0xab: {  	[dreg:$0x4] =	wrdreg $0xC0  }
0xac: {  	_ =	task [dreg:s8], $0x5FFFF  }
0xad: {  	[dreg:$0x1] =	wrdreg $0xFFFFFFFF  }
0xae: {  	[dreg:$0x0] =	wrdreg $0x60  }
0xaf: {  	[dreg:$0x2] =	wrdreg s2  }
0xb0: {  	[dreg:$0x3] =	wrdreg s19  }
0xb1: {  	[dreg:$0x4] =	wrdreg $0x9  }
0xb2: {  	_ =	task.clear_ibuf [dreg:s8], $0x5FFFF;
	_ =	strace $0x90000046  }
0xb3: {  	s29 =	simm.s32 $0x9;
	_ =	strace $0x80000048  }
0xb4: {  	_ =	swait.ge [sflag:s29], $0x1  }
0xb5: {  	[sflag:s29] =	ssyncadd.s32 $0xFFFFFFFF  }
0xb6: {  	_ =	strace $0x90000048  }
0xb7: {  	_ =	sfence  }
0xb8: {  	s30 =	sld [smem:$0x0];
	_ =	sdelay $0x2  }
0xb9: {  	s31 =	sshll.u32 s1, $0xD;
	s1 =	sshrl.u32 s1, $0x2  }
0xba: {  	s3 =	sand.u32 $0x4000, s31;
	s1 =	sadd.s32 s1, s30  }
0xbb: {  	s0 =	sor.u32 s3, s0;
	s1 =	sshll.u32 s1, $0x11  }
0xbc: {  	s0 =	sor.u32 s1, s0  }
0xbd: {  	s0 =	sadd.s32 $0x8F2B, s0  }
0xbe: {  	[sflag:s0] =	ssyncadd.remote.s32 $0x1  }
0xbf: {  	_ =	sfence.sel $0xFFFF  }
0xc0: {  	[dreg:$0x0] =	wrdreg $0xFFFFFFFF;
	(pc) =	sbr.abs _section_cstart, $3  }
0xc1: {  	[dreg:$0x1] =	wrdreg $0xFFFFFFFF  }
0xc2: {  	_ =	task.clear_ibuf [dreg:s8], $0x2FFFF;
	_ =	strace $0x9FFFFFFF  }
0xc3: {  	(tm) =	ssettm $0x7FFFFFFF  }
tec
execute0_lowered:
.L_overlay_start_1:
0x0: {  	(tag) =	ssettag $0x1  }
0x1: {  	s1 =	srdreg.scid  }
0x2: {  	s4 =	rddreg [dreg:$0x0];
	s0 =	stileid.u32  }
0x3: {  	s2 =	rddreg [dreg:$0x1];
	s3 =	simm.s32 $0x0;
	s6 =	sand.u32 $0x1, s1  }
0x4: {  	s5 =	sshll.u32 s0, $0x8;
	s1 =	rddreg [dreg:$0x2];
	s7 =	sshll.u32 s6, $0x7  }
0x5: {  	[smem:$0x7FF] =	sst s3;
	s7 =	sor.u32 s7, s5  }
0x6: {  	_ =	strace $0x80000047;
	s5 =	simm.s32 $0x2;
	s4 =	sadd.s32 s7, s4  }
0x7: {  	s8 =	sor.u32 $0x20, s7;
	s9 =	sor.u32 $0x70, s7;
	s4 =	sadd.s32 $0x186A000, s4  }
0x8: {  	v0 =	vlaneseq.u32;
	[tilespmem:s3], [sflag:$0x2] =	stream.linear.gather [hbm4b:s4+s3], $0x80, $0x38;
	[tilespmem:$0x280] =	vst v63  }
0x9: {  	v13 =	vmul.u32 $0x2, v0;
	v0 =	vmov s8;
	v1 =	vmov s9;
	_ =	swait.ge [sflag:s5], $0x80  }
0xa: {  	s25 =	sor.u32 $0x60, s7;
	v0 =	vshll.u32 v0, $0x1;
	v1 =	vshll.u32 v1, $0x1;
	[sflag:s5] =	ssyncset.done $0x0  }
0xb: {  	v2 =	vmov s25;
	v0 =	vor.u32 v13, v0;
	v1 =	vor.u32 v13, v1;
	[sflag:s5] =	ssyncadd.s32 $0xFFFFFF80  }
0xc: {  	s26 =	sor.u32 $0x50, s7;
	v3 =	vshll.u32 v2, $0x1;
	v2 =	vor.u32 $0x1, v1;
	[tilespmem:$0x1A0] =	vst v0  }
0xd: {  	v4 =	vmov s26;
	v3 =	vor.u32 v13, v3;
	[tilespmem:$0x270] =	vst v2  }
0xe: {  	s28 =	sor.u32 $0x40, s7;
	v5 =	vshll.u32 v4, $0x1;
	v4 =	vor.u32 $0x1, v3;
	[tilespmem:$0x1F0] =	vst v1  }
0xf: {  	v6 =	vmov s28;
	v5 =	vor.u32 v13, v5;
	v31 =	vld [tilespmem:$0x70];
	[tilespmem:$0x260] =	vst v4  }
0x10: {  	s29 =	sor.u32 $0x30, s7;
	v7 =	vshll.u32 v6, $0x1;
	v6 =	vor.u32 $0x1, v5;
	v17 =	vld [tilespmem:$0x20];
	[tilespmem:$0x1E0] =	vst v3  }
0x11: {  	v8 =	vmov s29;
	v7 =	vor.u32 v13, v7;
	v16 =	vld [tilespmem:$0x30];
	[tilespmem:$0x250] =	vst v6  }
0x12: {  	s6 =	ssub.s32 $0x2, s6;
	s30 =	sor.u32 $0x10, s7;
	v9 =	vshll.u32 v8, $0x1;
	v8 =	vor.u32 $0x1, v7;
	v18 =	vld [tilespmem:$0x50];
	[tilespmem:$0x1D0] =	vst v5  }
0x13: {  	s31 =	sshrl.u32 s6, $0x1;
	v10 =	vmov s30;
	v9 =	vor.u32 v13, v9;
	v20 =	vld [tilespmem:$0x10];
	[tilespmem:$0x240] =	vst v8  }
0x14: {  	s6 =	ssub.s32 s6, s31;
	v11 =	vshll.u32 v10, $0x1;
	v10 =	vor.u32 $0x1, v9;
	v19 =	vld [tilespmem:$0x60];
	[tilespmem:$0x1C0] =	vst v7  }
0x15: {  	v12 =	vmov s7;
	s11 =	smax.u32 s6, $0x1;
	v11 =	vor.u32 v13, v11;
	v21 =	vld [tilespmem:$0x0];
	[tilespmem:$0x230] =	vst v10  }
0x16: {  	v14 =	vshll.u32 v12, $0x1;
	p0 =	sne.s32 s11, $0x1;
	v12 =	vor.u32 $0x1, v11;
	v22 =	vld [tilespmem:$0x40];
	[tilespmem:$0x1B0] =	vst v9  }
.Ltmp0:
0x17: {  	v13 =	vor.u32 v13, v14;
	[tilespmem:$0x210] =	vst v12;
	(pc) =	sbr.rel @!p0 .LBB2_2-.Ltmp0, $4  }
0x18: {  	v14 =	vor.u32 $0x1, v13;
	[tilespmem:$0x190] =	vst v11;
	v28 =	vsub.f32 $1.000000000e+00, v31;
	v25 =	vsub.f32 $1.000000000e+00, v17  }
0x19: {  	[tilespmem:$0x200] =	vst v14;
	v26 =	vsub.f32 $1.000000000e+00, v18;
	v24 =	vsub.f32 $1.000000000e+00, v20  }
0x1a: {  	s10 =	simm.s32 $0x100;
	s7 =	simm.s32 $0x80;
	s6 =	simm.s32 $0x180;
	[tilespmem:$0x180] =	vst v13;
	v23 =	vsub.f32 $1.000000000e+00, v19;
	v27 =	vsub.f32 $1.000000000e+00, v21  }
0x1b: {  	s8 =	simm.s32 $0x200;
	s9 =	simm.s32 $0x1;
	s11 =	sadd.s32 $0xFFFFFFFF, s11;
	v15 =	vor.u32 $0x1, v0;
	v29 =	vsub.f32 $1.000000000e+00, v16;
	v30 =	vsub.f32 $1.000000000e+00, v22;
	[tilespmem:$0x170] =	vst v31  }
.LBB2_1:
0x1c: {  	p0 =	sne.s32 s11, $0x1;
	s11 =	sadd.s32 $0xFFFFFFFF, s11;
	[tilespmem:$0x120] =	vst v17  }
0x1d: {  	[tilespmem:$0x220] =	vst v15  }
0x1e: {  	[tilespmem:$0xF0] =	vst v28  }
0x1f: {  	[tilespmem:$0x130] =	vst v16  }
0x20: {  	[tilespmem:$0x150] =	vst v18  }
0x21: {  	[tilespmem:$0x110] =	vst v20  }
0x22: {  	[tilespmem:$0xA0] =	vst v25  }
0x23: {  	[tilespmem:$0x100] =	vst v21  }
0x24: {  	[tilespmem:$0x160] =	vst v19  }
0x25: {  	[tilespmem:$0xD0] =	vst v26  }
0x26: {  	[tilespmem:$0x140] =	vst v22  }
0x27: {  	[tilespmem:$0x90] =	vst v24  }
0x28: {  	[tilespmem:$0xB0] =	vst v29  }
0x29: {  	[tilespmem:$0xC0] =	vst v30  }
0x2a: {  	[tilespmem:$0x80] =	vst v27  }
0x2b: {  	[tilespmem:$0xE0] =	vst v23  }
0x2c: {  	[hbm4b:s2+s7] =	stream.indirect.scatter [tilespmem:s7], [sflag:$0x1], $0x1, s6, s7, $0xb8;
	[tilespmem:$0x280] =	vst v63  }
0x2d: {  	_ = 	snop  }
0x2e: {  	[hbm4b:s2+s7] =	stream.indirect.scatter [tilespmem:s10], [sflag:$0x1], $0x1, s8, s7, $0xb8;
	[tilespmem:$0x280] =	vst v63  }
0x2f: {  	_ =	swait.ge [sflag:s9], $0x80  }
0x30: {  	[sflag:s9] =	ssyncset.done $0x0  }
0x31: {  	[sflag:s9] =	ssyncadd.s32 $0xFFFFFF80  }
0x32: {  	_ =	swait.ge [sflag:s9], $0x80  }
0x33: {  	[sflag:s9] =	ssyncset.done $0x0  }
0x34: {  	[sflag:s9] =	ssyncadd.s32 $0xFFFFFF80  }
0x35: {  	[tilespmem:s3], [sflag:$0x2] =	stream.linear.gather [hbm4b:s4+s3], $0x80, $0x38;
	[tilespmem:$0x280] =	vst v63  }
0x36: {  	_ =	swait.ge [sflag:s5], $0x80  }
0x37: {  	[sflag:s5] =	ssyncset.done $0x0  }
0x38: {  	[sflag:s5] =	ssyncadd.s32 $0xFFFFFF80  }
0x39: {  	[tilespmem:$0x1A0] =	vst v0;
	v31 =	vld [tilespmem:$0x70]  }
0x3a: {  	v17 =	vld [tilespmem:$0x20];
	[tilespmem:$0x270] =	vst v2  }
0x3b: {  	v16 =	vld [tilespmem:$0x30];
	[tilespmem:$0x1F0] =	vst v1  }
0x3c: {  	v18 =	vld [tilespmem:$0x50];
	[tilespmem:$0x260] =	vst v4  }
0x3d: {  	v20 =	vld [tilespmem:$0x10];
	[tilespmem:$0x1E0] =	vst v3  }
0x3e: {  	[tilespmem:$0x250] =	vst v6;
	v19 =	vld [tilespmem:$0x60];
	v28 =	vsub.f32 $1.000000000e+00, v31  }
0x3f: {  	v21 =	vld [tilespmem:$0x0];
	v25 =	vsub.f32 $1.000000000e+00, v17;
	[tilespmem:$0x1D0] =	vst v5  }
0x40: {  	[tilespmem:$0x240] =	vst v8  }
0x41: {  	[tilespmem:$0x1C0] =	vst v7;
	v26 =	vsub.f32 $1.000000000e+00, v18  }
0x42: {  	v24 =	vsub.f32 $1.000000000e+00, v20;
	[tilespmem:$0x230] =	vst v10;
	v22 =	vld [tilespmem:$0x40]  }
0x43: {  	[tilespmem:$0x1B0] =	vst v9;
	v23 =	vsub.f32 $1.000000000e+00, v19  }
.Ltmp1:
0x44: {  	v29 =	vsub.f32 $1.000000000e+00, v16;
	v27 =	vsub.f32 $1.000000000e+00, v21;
	[tilespmem:$0x210] =	vst v12;
	(pc) =	sbr.rel @p0 .LBB2_1-.Ltmp1, $4  }
0x45: {  	[tilespmem:$0x190] =	vst v11  }
0x46: {  	[tilespmem:$0x200] =	vst v14  }
0x47: {  	[tilespmem:$0x180] =	vst v13;
	v30 =	vsub.f32 $1.000000000e+00, v22  }
0x48: {  	[tilespmem:$0x170] =	vst v31  }
.LBB2_2:
0x49: {  	[tilespmem:$0x120] =	vst v17  }
0x4a: {  	[tilespmem:$0x220] =	vst v15  }
0x4b: {  	[tilespmem:$0xF0] =	vst v28  }
0x4c: {  	[tilespmem:$0x130] =	vst v16  }
0x4d: {  	[tilespmem:$0x150] =	vst v18  }
0x4e: {  	[tilespmem:$0x110] =	vst v20  }
0x4f: {  	[tilespmem:$0xA0] =	vst v25  }
0x50: {  	[tilespmem:$0x100] =	vst v21  }
0x51: {  	[tilespmem:$0x160] =	vst v19  }
0x52: {  	[tilespmem:$0xD0] =	vst v26  }
0x53: {  	[tilespmem:$0x140] =	vst v22  }
0x54: {  	[tilespmem:$0x90] =	vst v24  }
0x55: {  	[tilespmem:$0x80] =	vst v27  }
0x56: {  	[tilespmem:$0xE0] =	vst v23  }
0x57: {  	[tilespmem:$0xB0] =	vst v29  }
0x58: {  	[tilespmem:$0xC0] =	vst v30  }
0x59: {  	[hbm4b:s2+s7] =	stream.indirect.scatter [tilespmem:s7], [sflag:$0x1], $0x1, s6, s7, $0xb8;
	[tilespmem:$0x280] =	vst v63  }
0x5a: {  	_ = 	snop  }
0x5b: {  	[hbm4b:s2+s7] =	stream.indirect.scatter [tilespmem:s10], [sflag:$0x1], $0x1, s8, s7, $0xb8;
	[tilespmem:$0x280] =	vst v63  }
0x5c: {  	_ =	swait.ge [sflag:s9], $0x80  }
0x5d: {  	[sflag:s9] =	ssyncset.done $0x0  }
0x5e: {  	[sflag:s9] =	ssyncadd.s32 $0xFFFFFF80  }
0x5f: {  	_ =	swait.ge [sflag:s9], $0x80  }
0x60: {  	[sflag:s9] =	ssyncset.done $0x0  }
0x61: {  	[sflag:s9] =	ssyncadd.s32 $0xFFFFFF80  }
0x62: {  	_ =	sfence.sel $0x180000  }
0x63: {  	[bflag:$0x0] =	sbarrier.arrive $0xFFFF  }
0x64: {  	p0 =	sne.s32 s0, $0x0;
	_ =	strace $0x90000047  }
0x65: {  	s0 =	sadd.s32 @!p0 $0x100000, s1;
	[bflag:$0x2] =	sbarrier.arrive $0xFFFF  }
0x66: {  	[sflag:s0] =	ssyncadd.tile.s32 @!p0 $0x1;
	_ =	shalt  }
.Lfunc_end2:
_tile_overlayer_lowered:
.L_overlay_start_2:
0x67: {  	(tag) =	ssettag $0x2  }
0x68: {  	s0 =	rddreg [dreg:$0x0];
	s2 =	stileid.u32  }
0x69: {  	s1 =	rddreg [dreg:$0x1];
	p0 =	sne.s32 s2, $0x0  }
0x6a: {  	s3 =	rddreg [dreg:$0x2];
	[bflag:$0x3] =	sbarrier.arrive $0xFFFF;
	s2 =	simm.s32 @!p0 $0x1C02  }
0x6b: {  	[timem:s3], [sflag:s2] =	dma.local @!p0 [hbm:s0], s1  }
0x6c: {  	s0 =	simm.s32 @!p0 $0x2  }
0x6d: {  	_ =	swait.ge @!p0 [sflag:s0], s1  }
0x6e: {  	s1 =	ssub.s32 @!p0 $0x0, s1;
	[sflag:s0] =	ssyncset.done @!p0 $0x0  }
0x6f: {  	[sflag:s0] =	ssyncadd.s32 @!p0 s1  }
0x70: {  	[bflag:$0x3] =	sbarrier.arrive $0xFFFF  }
0x71: {  	_ =	shalt  }

</sc_bundles>
